<compile_context>
chip_gen: v7x
topology: tpu7x:2x2x1
jax: 0.10.2.dev20260603
libtpu: 0.0.44.dev20260713+nightly
codegen_flags: <defaults>
</compile_context>

<pallas_src>
import functools

import jax
import jax.numpy as jnp
from jax import lax
from jax.experimental import pallas as pl
from jax.experimental.pallas import tpu as pltpu
from jax.experimental.pallas import tpu_sc as plsc

N_VERTEX = 50000
NU = 8
D_LAT = 128
N_ANCIL = 8
ROWS = N_VERTEX * NU
CHUNK = 320
NCHUNK = ROWS // CHUNK
NBUF = 3


def _sc_gather(table, idx_flat):
    info = plsc.get_sparse_core_info()
    nc, ns = info.num_cores, info.num_subcores
    nw = nc * ns
    kmax = -(-NCHUNK // nw)
    jmax = -(-kmax // NBUF)

    mesh = plsc.VectorSubcoreMesh(core_axis_name="c", subcore_axis_name="s")

    @functools.partial(
        pl.kernel,
        out_type=jax.ShapeDtypeStruct((ROWS, D_LAT), jnp.float32),
        mesh=mesh,
        scratch_types=(
            [pltpu.VMEM((CHUNK,), jnp.int32) for _ in range(NBUF)]
            + [pltpu.VMEM((CHUNK, D_LAT), jnp.float32) for _ in range(NBUF)]
            + [pltpu.SemaphoreType.DMA for _ in range(2 * NBUF)]
        ),
    )
    def gather_kernel(table_hbm, idx_hbm, out_hbm, *bufs):
        wid = lax.axis_index("s") * nc + lax.axis_index("c")
        idx_v = bufs[:NBUF]
        rows_v = bufs[NBUF : 2 * NBUF]
        gsem = bufs[2 * NBUF : 3 * NBUF]
        wsem = bufs[3 * NBUF : 4 * NBUF]

        def body(j, carry):
            for b in range(NBUF):
                c = (j * NBUF + b) * nw + wid

                @pl.when(c < NCHUNK)
                def _(b=b, c=c):
                    @pl.when(j > 0)
                    def _():
                        pltpu.make_async_copy(
                            rows_v[b], out_hbm.at[pl.ds(0, CHUNK)], wsem[b]
                        ).wait()

                    base = c * CHUNK
                    pltpu.sync_copy(idx_hbm.at[pl.ds(base, CHUNK)], idx_v[b])
                    pltpu.async_copy(table_hbm.at[idx_v[b]], rows_v[b], gsem[b])

            for b in range(NBUF):
                c = (j * NBUF + b) * nw + wid

                @pl.when(c < NCHUNK)
                def _(b=b, c=c):
                    pltpu.make_async_copy(
                        table_hbm.at[idx_v[b]], rows_v[b], gsem[b]
                    ).wait()
                    pltpu.async_copy(
                        rows_v[b], out_hbm.at[pl.ds(c * CHUNK, CHUNK)], wsem[b]
                    )

            return carry

        lax.fori_loop(0, jmax, body, 0)

        for b in range(NBUF):
            pltpu.make_async_copy(
                rows_v[b], out_hbm.at[pl.ds(0, CHUNK)], wsem[b]
            ).wait()

    return gather_kernel(table, idx_flat)


def _tc_transpose(x):
    def tkernel(x_ref, o_ref):
        o_ref[...] = x_ref[...].T

    return pl.pallas_call(
        tkernel,
        out_shape=jax.ShapeDtypeStruct((N_VERTEX, N_ANCIL), jnp.float32),
    )(x)


def kernel(z_prime, x_ancil, index):
    idx_flat = index.reshape(ROWS).astype(jnp.int32)
    z_rows = _sc_gather(z_prime, idx_flat)
    z_tilde = z_rows.reshape(N_VERTEX, NU, D_LAT)
    x_ancil_tilde = _tc_transpose(x_ancil)
    return z_tilde, x_ancil_tilde

# --- scband reference (transcript-rebuilt; emitter-appended) ---
"""Pipeline reference for scband-decoder-5085241278870 (READ-ONLY COPY).

The authoritative reference and input builder live on the scoring server;
editing this copy changes nothing except your own understanding.
"""

import jax, jax.numpy as jnp
import numpy as np

N_VERTEX = 50000
N_DUAL = 25000
D_LAT = 128
NU = 8
N_ANCIL = 8


def setup_inputs(seed: int = 0) -> dict:
    key = jax.random.key(seed)
    k1, k2, k3 = jax.random.split(key, 3)
    z_prime = jax.random.normal(k1, (N_DUAL, D_LAT), dtype=jnp.float32)
    x_ancil = jax.random.uniform(k2, (N_ANCIL, N_VERTEX), dtype=jnp.float32)
    # Precomputed nu-nearest-neighbour index buffer (vertex -> dual-mesh vertex ids),
    # stands in for the argmin-distance loop done in __init__ over mesh coordinates.
    index = jax.random.randint(k3, (N_VERTEX, NU, 1), 0, N_DUAL, dtype=jnp.int64)
    return {"z_prime": z_prime, "x_ancil": x_ancil, "index": index}


def reference(z_prime, x_ancil, index):
    # index: (n_vertex, nu, 1) -> expand to (n_vertex, nu, d_lat)
    d_lat = z_prime.shape[-1]
    idx = jnp.broadcast_to(index, (index.shape[0], index.shape[1], d_lat))
    # z_prime.unsqueeze(-2).repeat((1, nu, 1)) -> (n_dual_vertex, nu, d_lat)
    z_prime_changed = jnp.repeat(z_prime[:, None, :], index.shape[1], axis=1)
    # torch.gather(z_prime_changed, 0, index) == take_along_axis on axis 0
    z_tilde = jnp.take_along_axis(z_prime_changed, idx, axis=0)
    # x_ancil.transpose(-2, -1)
    x_ancil_tilde = jnp.swapaxes(x_ancil, -2, -1)
    return z_tilde, x_ancil_tilde

if __name__ == "__main__":
    import jax
    _d = setup_inputs()
    print(jax.jit(kernel)(*tuple(_d.values())))

</pallas_src>

<mosaic_0001>
#map = affine_map<(d0, d1) -> (0, 0)>
#map1 = affine_map<(d0, d1) -> (0)>
module attributes {stable_mosaic.version = 14 : i64} {
  func.func @gather_kernel(%arg0: i32, %arg1: i32, %arg2: memref<25000x128xf32, #tpu.memory_space<hbm>>, %arg3: memref<400000xi32, #tpu.memory_space<hbm>>, %arg4: memref<400000x128xf32, #tpu.memory_space<hbm>>, %arg5: memref<320xi32, #tpu.memory_space<vmem>>, %arg6: memref<320xi32, #tpu.memory_space<vmem>>, %arg7: memref<320xi32, #tpu.memory_space<vmem>>, %arg8: memref<320x128xf32, #tpu.memory_space<vmem>>, %arg9: memref<320x128xf32, #tpu.memory_space<vmem>>, %arg10: memref<320x128xf32, #tpu.memory_space<vmem>>, %arg11: memref<!tpu.dma_semaphore, #tpu.memory_space<semaphore_mem>>, %arg12: memref<!tpu.dma_semaphore, #tpu.memory_space<semaphore_mem>>, %arg13: memref<!tpu.dma_semaphore, #tpu.memory_space<semaphore_mem>>, %arg14: memref<!tpu.dma_semaphore, #tpu.memory_space<semaphore_mem>>, %arg15: memref<!tpu.dma_semaphore, #tpu.memory_space<semaphore_mem>>, %arg16: memref<!tpu.dma_semaphore, #tpu.memory_space<semaphore_mem>>) attributes {dimension_semantics = [#tpu.dimension_semantics<core_parallel>, #tpu.dimension_semantics<subcore_parallel>], iteration_bounds = array<i64: 2, 16>, scalar_prefetch = 0 : i64, scratch_operands = 12 : i64, tpu.core_type = #tpu.core_type<sc_vector_subcore>, window_params = [{transform_indices = #map}, {transform_indices = #map1}, {transform_indices = #map}]} {
    %mul3A = arith.constant 2 : i32
    %mul3A_0 = arith.muli %arg1, %mul3A : i32
    %add3A = arith.addi %mul3A_0, %arg0 : i32
    %scan3A = arith.constant 0 : i32
    %scan3A_1 = arith.constant 0 : i32
    %scan3A_2 = arith.constant 14 : i32
    %scan3A_3 = arith.addi %scan3A_1, %scan3A_2 : i32
    %scan3A_4 = arith.constant 1 : i32
    scf.for %scan3A_23 = %scan3A_1 to %scan3A_3 step %scan3A_4  : i32 {
      %mul3A_24 = arith.constant 3 : i32
      %mul3A_25 = arith.muli %scan3A_23, %mul3A_24 : i32
      %add3A_26 = arith.constant 0 : i32
      %add3A_27 = arith.addi %mul3A_25, %add3A_26 : i32
      %mul3A_28 = arith.constant 32 : i32
      %mul3A_29 = arith.muli %add3A_27, %mul3A_28 : i32
      %add3A_30 = arith.addi %mul3A_29, %add3A : i32
      %lt3A = arith.constant 1250 : i32
      %lt3A_31 = arith.cmpi slt, %add3A_30, %lt3A : i32
      %convert_element_type3A = arith.extui %lt3A_31 : i1 to i32
      %cond3A = arith.constant 0 : i32
      %cond3A_32 = arith.cmpi ne, %convert_element_type3A, %cond3A : i32
      scf.if %cond3A_32 {
        %gt3A = arith.constant 0 : i32
        %gt3A_93 = arith.cmpi sgt, %scan3A_23, %gt3A : i32
        %convert_element_type3A_94 = arith.extui %gt3A_93 : i1 to i32
        %cond3A_95 = arith.constant 0 : i32
        %cond3A_96 = arith.cmpi ne, %convert_element_type3A_94, %cond3A_95 : i32
        scf.if %cond3A_96 {
          %dma_wait3A_101 = arith.constant 0 : i32
          %dma_wait3A_102 = arith.constant 0 : i32
          %dma_wait3A_103 = tpu.memref_slice %arg4[%dma_wait3A_101, %dma_wait3A_102] : memref<400000x128xf32, #tpu.memory_space<hbm>> -> memref<320x128xf32, #tpu.memory_space<hbm>>
          %dma_wait3A_104 = arith.constant 0 : i32
          %dma_wait3A_105 = arith.constant 0 : i32
          %dma_wait3A_106 = tpu.memref_slice %arg4[%dma_wait3A_104, %dma_wait3A_105] : memref<400000x128xf32, #tpu.memory_space<hbm>> -> memref<320x128xf32, #tpu.memory_space<hbm>>
          tpu.wait_dma2 semaphore(%arg14 : memref<!tpu.dma_semaphore, #tpu.memory_space<semaphore_mem>>) src(%arg8 : memref<320x128xf32, #tpu.memory_space<vmem>>) dst(%dma_wait3A_106 : memref<320x128xf32, #tpu.memory_space<hbm>>)
        } else {
        }
        %mul3A_97 = arith.constant 320 : i32
        %mul3A_98 = arith.muli %add3A_30, %mul3A_97 : i32
        "tpu.region"() ({
          %run_scoped3A = tpu.sem_alloc : memref<!tpu.dma_semaphore, #tpu.memory_space<semaphore_mem>>
          %dma_start3A_101 = tpu.memref_slice %arg3[%mul3A_98] : memref<400000xi32, #tpu.memory_space<hbm>> -> memref<320xi32, #tpu.memory_space<hbm>>
          %dma_start3A_102 = tpu.memref_slice %arg3[%mul3A_98] : memref<400000xi32, #tpu.memory_space<hbm>> -> memref<320xi32, #tpu.memory_space<hbm>>
          tpu.enqueue_dma source(%dma_start3A_102 : memref<320xi32, #tpu.memory_space<hbm>>) target(%arg5 : memref<320xi32, #tpu.memory_space<vmem>>) target_semaphore(%run_scoped3A : memref<!tpu.dma_semaphore, #tpu.memory_space<semaphore_mem>>)
          %dma_wait3A_103 = tpu.memref_slice %arg3[%mul3A_98] : memref<400000xi32, #tpu.memory_space<hbm>> -> memref<320xi32, #tpu.memory_space<hbm>>
          %dma_wait3A_104 = tpu.memref_slice %arg3[%mul3A_98] : memref<400000xi32, #tpu.memory_space<hbm>> -> memref<320xi32, #tpu.memory_space<hbm>>
          tpu.wait_dma2 semaphore(%run_scoped3A : memref<!tpu.dma_semaphore, #tpu.memory_space<semaphore_mem>>) src(%dma_wait3A_104 : memref<320xi32, #tpu.memory_space<hbm>>) dst(%arg5 : memref<320xi32, #tpu.memory_space<vmem>>)
          tpu.yield
        }) : () -> ()
        %dma_start3A = arith.constant 0 : i32
        %dma_start3A_99 = arith.constant 0 : i32
        %dma_start3A_100 = tpu.memref_slice %arg2[%dma_start3A, %dma_start3A_99] : memref<25000x128xf32, #tpu.memory_space<hbm>> -> memref<25000x128xf32, #tpu.memory_space<hbm>>
        tpu.enqueue_indirect_dma source(%dma_start3A_100 : memref<25000x128xf32, #tpu.memory_space<hbm>>) target(%arg8 : memref<320x128xf32, #tpu.memory_space<vmem>>) offsets(%arg5 : memref<320xi32, #tpu.memory_space<vmem>>) semaphore(%arg11 : memref<!tpu.dma_semaphore, #tpu.memory_space<semaphore_mem>>)
      } else {
      }
      %mul3A_33 = arith.constant 3 : i32
      %mul3A_34 = arith.muli %scan3A_23, %mul3A_33 : i32
      %add3A_35 = arith.constant 1 : i32
      %add3A_36 = arith.addi %mul3A_34, %add3A_35 : i32
      %mul3A_37 = arith.constant 32 : i32
      %mul3A_38 = arith.muli %add3A_36, %mul3A_37 : i32
      %add3A_39 = arith.addi %mul3A_38, %add3A : i32
      %lt3A_40 = arith.constant 1250 : i32
      %lt3A_41 = arith.cmpi slt, %add3A_39, %lt3A_40 : i32
      %convert_element_type3A_42 = arith.extui %lt3A_41 : i1 to i32
      %cond3A_43 = arith.constant 0 : i32
      %cond3A_44 = arith.cmpi ne, %convert_element_type3A_42, %cond3A_43 : i32
      scf.if %cond3A_44 {
        %gt3A = arith.constant 0 : i32
        %gt3A_93 = arith.cmpi sgt, %scan3A_23, %gt3A : i32
        %convert_element_type3A_94 = arith.extui %gt3A_93 : i1 to i32
        %cond3A_95 = arith.constant 0 : i32
        %cond3A_96 = arith.cmpi ne, %convert_element_type3A_94, %cond3A_95 : i32
        scf.if %cond3A_96 {
          %dma_wait3A_101 = arith.constant 0 : i32
          %dma_wait3A_102 = arith.constant 0 : i32
          %dma_wait3A_103 = tpu.memref_slice %arg4[%dma_wait3A_101, %dma_wait3A_102] : memref<400000x128xf32, #tpu.memory_space<hbm>> -> memref<320x128xf32, #tpu.memory_space<hbm>>
          %dma_wait3A_104 = arith.constant 0 : i32
          %dma_wait3A_105 = arith.constant 0 : i32
          %dma_wait3A_106 = tpu.memref_slice %arg4[%dma_wait3A_104, %dma_wait3A_105] : memref<400000x128xf32, #tpu.memory_space<hbm>> -> memref<320x128xf32, #tpu.memory_space<hbm>>
          tpu.wait_dma2 semaphore(%arg15 : memref<!tpu.dma_semaphore, #tpu.memory_space<semaphore_mem>>) src(%arg9 : memref<320x128xf32, #tpu.memory_space<vmem>>) dst(%dma_wait3A_106 : memref<320x128xf32, #tpu.memory_space<hbm>>)
        } else {
        }
        %mul3A_97 = arith.constant 320 : i32
        %mul3A_98 = arith.muli %add3A_39, %mul3A_97 : i32
        "tpu.region"() ({
          %run_scoped3A = tpu.sem_alloc : memref<!tpu.dma_semaphore, #tpu.memory_space<semaphore_mem>>
          %dma_start3A_101 = tpu.memref_slice %arg3[%mul3A_98] : memref<400000xi32, #tpu.memory_space<hbm>> -> memref<320xi32, #tpu.memory_space<hbm>>
          %dma_start3A_102 = tpu.memref_slice %arg3[%mul3A_98] : memref<400000xi32, #tpu.memory_space<hbm>> -> memref<320xi32, #tpu.memory_space<hbm>>
          tpu.enqueue_dma source(%dma_start3A_102 : memref<320xi32, #tpu.memory_space<hbm>>) target(%arg6 : memref<320xi32, #tpu.memory_space<vmem>>) target_semaphore(%run_scoped3A : memref<!tpu.dma_semaphore, #tpu.memory_space<semaphore_mem>>)
          %dma_wait3A_103 = tpu.memref_slice %arg3[%mul3A_98] : memref<400000xi32, #tpu.memory_space<hbm>> -> memref<320xi32, #tpu.memory_space<hbm>>
          %dma_wait3A_104 = tpu.memref_slice %arg3[%mul3A_98] : memref<400000xi32, #tpu.memory_space<hbm>> -> memref<320xi32, #tpu.memory_space<hbm>>
          tpu.wait_dma2 semaphore(%run_scoped3A : memref<!tpu.dma_semaphore, #tpu.memory_space<semaphore_mem>>) src(%dma_wait3A_104 : memref<320xi32, #tpu.memory_space<hbm>>) dst(%arg6 : memref<320xi32, #tpu.memory_space<vmem>>)
          tpu.yield
        }) : () -> ()
        %dma_start3A = arith.constant 0 : i32
        %dma_start3A_99 = arith.constant 0 : i32
        %dma_start3A_100 = tpu.memref_slice %arg2[%dma_start3A, %dma_start3A_99] : memref<25000x128xf32, #tpu.memory_space<hbm>> -> memref<25000x128xf32, #tpu.memory_space<hbm>>
        tpu.enqueue_indirect_dma source(%dma_start3A_100 : memref<25000x128xf32, #tpu.memory_space<hbm>>) target(%arg9 : memref<320x128xf32, #tpu.memory_space<vmem>>) offsets(%arg6 : memref<320xi32, #tpu.memory_space<vmem>>) semaphore(%arg12 : memref<!tpu.dma_semaphore, #tpu.memory_space<semaphore_mem>>)
      } else {
      }
      %mul3A_45 = arith.constant 3 : i32
      %mul3A_46 = arith.muli %scan3A_23, %mul3A_45 : i32
      %add3A_47 = arith.constant 2 : i32
      %add3A_48 = arith.addi %mul3A_46, %add3A_47 : i32
      %mul3A_49 = arith.constant 32 : i32
      %mul3A_50 = arith.muli %add3A_48, %mul3A_49 : i32
      %add3A_51 = arith.addi %mul3A_50, %add3A : i32
      %lt3A_52 = arith.constant 1250 : i32
      %lt3A_53 = arith.cmpi slt, %add3A_51, %lt3A_52 : i32
      %convert_element_type3A_54 = arith.extui %lt3A_53 : i1 to i32
      %cond3A_55 = arith.constant 0 : i32
      %cond3A_56 = arith.cmpi ne, %convert_element_type3A_54, %cond3A_55 : i32
      scf.if %cond3A_56 {
        %gt3A = arith.constant 0 : i32
        %gt3A_93 = arith.cmpi sgt, %scan3A_23, %gt3A : i32
        %convert_element_type3A_94 = arith.extui %gt3A_93 : i1 to i32
        %cond3A_95 = arith.constant 0 : i32
        %cond3A_96 = arith.cmpi ne, %convert_element_type3A_94, %cond3A_95 : i32
        scf.if %cond3A_96 {
          %dma_wait3A_101 = arith.constant 0 : i32
          %dma_wait3A_102 = arith.constant 0 : i32
          %dma_wait3A_103 = tpu.memref_slice %arg4[%dma_wait3A_101, %dma_wait3A_102] : memref<400000x128xf32, #tpu.memory_space<hbm>> -> memref<320x128xf32, #tpu.memory_space<hbm>>
          %dma_wait3A_104 = arith.constant 0 : i32
          %dma_wait3A_105 = arith.constant 0 : i32
          %dma_wait3A_106 = tpu.memref_slice %arg4[%dma_wait3A_104, %dma_wait3A_105] : memref<400000x128xf32, #tpu.memory_space<hbm>> -> memref<320x128xf32, #tpu.memory_space<hbm>>
          tpu.wait_dma2 semaphore(%arg16 : memref<!tpu.dma_semaphore, #tpu.memory_space<semaphore_mem>>) src(%arg10 : memref<320x128xf32, #tpu.memory_space<vmem>>) dst(%dma_wait3A_106 : memref<320x128xf32, #tpu.memory_space<hbm>>)
        } else {
        }
        %mul3A_97 = arith.constant 320 : i32
        %mul3A_98 = arith.muli %add3A_51, %mul3A_97 : i32
        "tpu.region"() ({
          %run_scoped3A = tpu.sem_alloc : memref<!tpu.dma_semaphore, #tpu.memory_space<semaphore_mem>>
          %dma_start3A_101 = tpu.memref_slice %arg3[%mul3A_98] : memref<400000xi32, #tpu.memory_space<hbm>> -> memref<320xi32, #tpu.memory_space<hbm>>
          %dma_start3A_102 = tpu.memref_slice %arg3[%mul3A_98] : memref<400000xi32, #tpu.memory_space<hbm>> -> memref<320xi32, #tpu.memory_space<hbm>>
          tpu.enqueue_dma source(%dma_start3A_102 : memref<320xi32, #tpu.memory_space<hbm>>) target(%arg7 : memref<320xi32, #tpu.memory_space<vmem>>) target_semaphore(%run_scoped3A : memref<!tpu.dma_semaphore, #tpu.memory_space<semaphore_mem>>)
          %dma_wait3A_103 = tpu.memref_slice %arg3[%mul3A_98] : memref<400000xi32, #tpu.memory_space<hbm>> -> memref<320xi32, #tpu.memory_space<hbm>>
          %dma_wait3A_104 = tpu.memref_slice %arg3[%mul3A_98] : memref<400000xi32, #tpu.memory_space<hbm>> -> memref<320xi32, #tpu.memory_space<hbm>>
          tpu.wait_dma2 semaphore(%run_scoped3A : memref<!tpu.dma_semaphore, #tpu.memory_space<semaphore_mem>>) src(%dma_wait3A_104 : memref<320xi32, #tpu.memory_space<hbm>>) dst(%arg7 : memref<320xi32, #tpu.memory_space<vmem>>)
          tpu.yield
        }) : () -> ()
        %dma_start3A = arith.constant 0 : i32
        %dma_start3A_99 = arith.constant 0 : i32
        %dma_start3A_100 = tpu.memref_slice %arg2[%dma_start3A, %dma_start3A_99] : memref<25000x128xf32, #tpu.memory_space<hbm>> -> memref<25000x128xf32, #tpu.memory_space<hbm>>
        tpu.enqueue_indirect_dma source(%dma_start3A_100 : memref<25000x128xf32, #tpu.memory_space<hbm>>) target(%arg10 : memref<320x128xf32, #tpu.memory_space<vmem>>) offsets(%arg7 : memref<320xi32, #tpu.memory_space<vmem>>) semaphore(%arg13 : memref<!tpu.dma_semaphore, #tpu.memory_space<semaphore_mem>>)
      } else {
      }
      %mul3A_57 = arith.constant 3 : i32
      %mul3A_58 = arith.muli %scan3A_23, %mul3A_57 : i32
      %add3A_59 = arith.constant 0 : i32
      %add3A_60 = arith.addi %mul3A_58, %add3A_59 : i32
      %mul3A_61 = arith.constant 32 : i32
      %mul3A_62 = arith.muli %add3A_60, %mul3A_61 : i32
      %add3A_63 = arith.addi %mul3A_62, %add3A : i32
      %lt3A_64 = arith.constant 1250 : i32
      %lt3A_65 = arith.cmpi slt, %add3A_63, %lt3A_64 : i32
      %convert_element_type3A_66 = arith.extui %lt3A_65 : i1 to i32
      %cond3A_67 = arith.constant 0 : i32
      %cond3A_68 = arith.cmpi ne, %convert_element_type3A_66, %cond3A_67 : i32
      scf.if %cond3A_68 {
        %dma_wait3A_93 = arith.constant 0 : i32
        %dma_wait3A_94 = arith.constant 0 : i32
        %dma_wait3A_95 = tpu.memref_slice %arg2[%dma_wait3A_93, %dma_wait3A_94] : memref<25000x128xf32, #tpu.memory_space<hbm>> -> memref<25000x128xf32, #tpu.memory_space<hbm>>
        tpu.wait_indirect_dma semaphore(%arg11 : memref<!tpu.dma_semaphore, #tpu.memory_space<semaphore_mem>>) src(%dma_wait3A_95 : memref<25000x128xf32, #tpu.memory_space<hbm>>) dst(%arg8 : memref<320x128xf32, #tpu.memory_space<vmem>>)
        %mul3A_96 = arith.constant 320 : i32
        %mul3A_97 = arith.muli %add3A_63, %mul3A_96 : i32
        %dma_start3A = arith.constant 0 : i32
        %dma_start3A_98 = tpu.memref_slice %arg4[%mul3A_97, %dma_start3A] : memref<400000x128xf32, #tpu.memory_space<hbm>> -> memref<320x128xf32, #tpu.memory_space<hbm>>
        %dma_start3A_99 = arith.constant 0 : i32
        %dma_start3A_100 = tpu.memref_slice %arg4[%mul3A_97, %dma_start3A_99] : memref<400000x128xf32, #tpu.memory_space<hbm>> -> memref<320x128xf32, #tpu.memory_space<hbm>>
        tpu.enqueue_dma source(%arg8 : memref<320x128xf32, #tpu.memory_space<vmem>>) target(%dma_start3A_100 : memref<320x128xf32, #tpu.memory_space<hbm>>) target_semaphore(%arg14 : memref<!tpu.dma_semaphore, #tpu.memory_space<semaphore_mem>>)
      } else {
      }
      %mul3A_69 = arith.constant 3 : i32
      %mul3A_70 = arith.muli %scan3A_23, %mul3A_69 : i32
      %add3A_71 = arith.constant 1 : i32
      %add3A_72 = arith.addi %mul3A_70, %add3A_71 : i32
      %mul3A_73 = arith.constant 32 : i32
      %mul3A_74 = arith.muli %add3A_72, %mul3A_73 : i32
      %add3A_75 = arith.addi %mul3A_74, %add3A : i32
      %lt3A_76 = arith.constant 1250 : i32
      %lt3A_77 = arith.cmpi slt, %add3A_75, %lt3A_76 : i32
      %convert_element_type3A_78 = arith.extui %lt3A_77 : i1 to i32
      %cond3A_79 = arith.constant 0 : i32
      %cond3A_80 = arith.cmpi ne, %convert_element_type3A_78, %cond3A_79 : i32
      scf.if %cond3A_80 {
        %dma_wait3A_93 = arith.constant 0 : i32
        %dma_wait3A_94 = arith.constant 0 : i32
        %dma_wait3A_95 = tpu.memref_slice %arg2[%dma_wait3A_93, %dma_wait3A_94] : memref<25000x128xf32, #tpu.memory_space<hbm>> -> memref<25000x128xf32, #tpu.memory_space<hbm>>
        tpu.wait_indirect_dma semaphore(%arg12 : memref<!tpu.dma_semaphore, #tpu.memory_space<semaphore_mem>>) src(%dma_wait3A_95 : memref<25000x128xf32, #tpu.memory_space<hbm>>) dst(%arg9 : memref<320x128xf32, #tpu.memory_space<vmem>>)
        %mul3A_96 = arith.constant 320 : i32
        %mul3A_97 = arith.muli %add3A_75, %mul3A_96 : i32
        %dma_start3A = arith.constant 0 : i32
        %dma_start3A_98 = tpu.memref_slice %arg4[%mul3A_97, %dma_start3A] : memref<400000x128xf32, #tpu.memory_space<hbm>> -> memref<320x128xf32, #tpu.memory_space<hbm>>
        %dma_start3A_99 = arith.constant 0 : i32
        %dma_start3A_100 = tpu.memref_slice %arg4[%mul3A_97, %dma_start3A_99] : memref<400000x128xf32, #tpu.memory_space<hbm>> -> memref<320x128xf32, #tpu.memory_space<hbm>>
        tpu.enqueue_dma source(%arg9 : memref<320x128xf32, #tpu.memory_space<vmem>>) target(%dma_start3A_100 : memref<320x128xf32, #tpu.memory_space<hbm>>) target_semaphore(%arg15 : memref<!tpu.dma_semaphore, #tpu.memory_space<semaphore_mem>>)
      } else {
      }
      %mul3A_81 = arith.constant 3 : i32
      %mul3A_82 = arith.muli %scan3A_23, %mul3A_81 : i32
      %add3A_83 = arith.constant 2 : i32
      %add3A_84 = arith.addi %mul3A_82, %add3A_83 : i32
      %mul3A_85 = arith.constant 32 : i32
      %mul3A_86 = arith.muli %add3A_84, %mul3A_85 : i32
      %add3A_87 = arith.addi %mul3A_86, %add3A : i32
      %lt3A_88 = arith.constant 1250 : i32
      %lt3A_89 = arith.cmpi slt, %add3A_87, %lt3A_88 : i32
      %convert_element_type3A_90 = arith.extui %lt3A_89 : i1 to i32
      %cond3A_91 = arith.constant 0 : i32
      %cond3A_92 = arith.cmpi ne, %convert_element_type3A_90, %cond3A_91 : i32
      scf.if %cond3A_92 {
        %dma_wait3A_93 = arith.constant 0 : i32
        %dma_wait3A_94 = arith.constant 0 : i32
        %dma_wait3A_95 = tpu.memref_slice %arg2[%dma_wait3A_93, %dma_wait3A_94] : memref<25000x128xf32, #tpu.memory_space<hbm>> -> memref<25000x128xf32, #tpu.memory_space<hbm>>
        tpu.wait_indirect_dma semaphore(%arg13 : memref<!tpu.dma_semaphore, #tpu.memory_space<semaphore_mem>>) src(%dma_wait3A_95 : memref<25000x128xf32, #tpu.memory_space<hbm>>) dst(%arg10 : memref<320x128xf32, #tpu.memory_space<vmem>>)
        %mul3A_96 = arith.constant 320 : i32
        %mul3A_97 = arith.muli %add3A_87, %mul3A_96 : i32
        %dma_start3A = arith.constant 0 : i32
        %dma_start3A_98 = tpu.memref_slice %arg4[%mul3A_97, %dma_start3A] : memref<400000x128xf32, #tpu.memory_space<hbm>> -> memref<320x128xf32, #tpu.memory_space<hbm>>
        %dma_start3A_99 = arith.constant 0 : i32
        %dma_start3A_100 = tpu.memref_slice %arg4[%mul3A_97, %dma_start3A_99] : memref<400000x128xf32, #tpu.memory_space<hbm>> -> memref<320x128xf32, #tpu.memory_space<hbm>>
        tpu.enqueue_dma source(%arg10 : memref<320x128xf32, #tpu.memory_space<vmem>>) target(%dma_start3A_100 : memref<320x128xf32, #tpu.memory_space<hbm>>) target_semaphore(%arg16 : memref<!tpu.dma_semaphore, #tpu.memory_space<semaphore_mem>>)
      } else {
      }
    }
    %scan3A_5 = arith.constant 14 : i32
    %dma_wait3A = arith.constant 0 : i32
    %dma_wait3A_6 = arith.constant 0 : i32
    %dma_wait3A_7 = tpu.memref_slice %arg4[%dma_wait3A, %dma_wait3A_6] : memref<400000x128xf32, #tpu.memory_space<hbm>> -> memref<320x128xf32, #tpu.memory_space<hbm>>
    %dma_wait3A_8 = arith.constant 0 : i32
    %dma_wait3A_9 = arith.constant 0 : i32
    %dma_wait3A_10 = tpu.memref_slice %arg4[%dma_wait3A_8, %dma_wait3A_9] : memref<400000x128xf32, #tpu.memory_space<hbm>> -> memref<320x128xf32, #tpu.memory_space<hbm>>
    tpu.wait_dma2 semaphore(%arg14 : memref<!tpu.dma_semaphore, #tpu.memory_space<semaphore_mem>>) src(%arg8 : memref<320x128xf32, #tpu.memory_space<vmem>>) dst(%dma_wait3A_10 : memref<320x128xf32, #tpu.memory_space<hbm>>)
    %dma_wait3A_11 = arith.constant 0 : i32
    %dma_wait3A_12 = arith.constant 0 : i32
    %dma_wait3A_13 = tpu.memref_slice %arg4[%dma_wait3A_11, %dma_wait3A_12] : memref<400000x128xf32, #tpu.memory_space<hbm>> -> memref<320x128xf32, #tpu.memory_space<hbm>>
    %dma_wait3A_14 = arith.constant 0 : i32
    %dma_wait3A_15 = arith.constant 0 : i32
    %dma_wait3A_16 = tpu.memref_slice %arg4[%dma_wait3A_14, %dma_wait3A_15] : memref<400000x128xf32, #tpu.memory_space<hbm>> -> memref<320x128xf32, #tpu.memory_space<hbm>>
    tpu.wait_dma2 semaphore(%arg15 : memref<!tpu.dma_semaphore, #tpu.memory_space<semaphore_mem>>) src(%arg9 : memref<320x128xf32, #tpu.memory_space<vmem>>) dst(%dma_wait3A_16 : memref<320x128xf32, #tpu.memory_space<hbm>>)
    %dma_wait3A_17 = arith.constant 0 : i32
    %dma_wait3A_18 = arith.constant 0 : i32
    %dma_wait3A_19 = tpu.memref_slice %arg4[%dma_wait3A_17, %dma_wait3A_18] : memref<400000x128xf32, #tpu.memory_space<hbm>> -> memref<320x128xf32, #tpu.memory_space<hbm>>
    %dma_wait3A_20 = arith.constant 0 : i32
    %dma_wait3A_21 = arith.constant 0 : i32
    %dma_wait3A_22 = tpu.memref_slice %arg4[%dma_wait3A_20, %dma_wait3A_21] : memref<400000x128xf32, #tpu.memory_space<hbm>> -> memref<320x128xf32, #tpu.memory_space<hbm>>
    tpu.wait_dma2 semaphore(%arg16 : memref<!tpu.dma_semaphore, #tpu.memory_space<semaphore_mem>>) src(%arg10 : memref<320x128xf32, #tpu.memory_space<vmem>>) dst(%dma_wait3A_22 : memref<320x128xf32, #tpu.memory_space<hbm>>)
    return
  }
}

module attributes {stable_mosaic.version = 14 : i64} {
  func.func @tkernel(%arg0: memref<8x50000xf32, #tpu.memory_space<vmem>>, %arg1: memref<50000x8xf32, #tpu.memory_space<vmem>>) attributes {dimension_semantics = [], scalar_prefetch = 0 : i64, scratch_operands = 0 : i64, tpu.core_type = #tpu.core_type<tc>} {
    %get3A = arith.constant 0 : index
    %get3A_0 = arith.constant 0 : index
    %get3A_1 = vector.load %arg0[%get3A, %get3A_0] : memref<8x50000xf32, #tpu.memory_space<vmem>>, vector<8x50000xf32>
    %transpose3A = tpu.transpose %get3A_1, [1, 0] : vector<8x50000xf32> -> vector<50000x8xf32>
    %swap3A = arith.constant 0 : index
    %swap3A_2 = arith.constant 0 : index
    %swap3A_3 = vector.load %arg1[%swap3A, %swap3A_2] : memref<50000x8xf32, #tpu.memory_space<vmem>>, vector<50000x8xf32>
    tpu.vector_store %arg1[%swap3A, %swap3A_2], %transpose3A {strides = array<i32>} : memref<50000x8xf32, #tpu.memory_space<vmem>>, vector<50000x8xf32>,
    return
  }
}

</mosaic_0001>

<sc_bundles>
// kernel: kernel.4.cloned.1.call-start
scs
__scs_entry_jumppad:
0x0: {  	(pc) =	sbr.rel $0x88, $3  }
0x1: {  	(tag) =	ssettag $0x0;
	lr =	simm.s32 $0x1  }
0x2: {  	[smem:$0x3F9E] =	sst lr;
	_ =	strace $0xD0000000  }
0x3: {  	_ = 	snop  }
0x4: {  	_ = 	snop  }
0x5: {  	_ = 	snop  }
0x6: {  	_ = 	snop  }
0x7: {  	_ = 	snop  }
__scs_overlays_trampoline_lowered:
0x8: {  	[smem:$0x3FAD] =	sst s0  }
0x9: {  	[smem:$0x3FAE] =	sst s1  }
0xa: {  	[smem:$0x3FAF] =	sst s2  }
0xb: {  	[smem:$0x3FB0] =	sst s3  }
0xc: {  	[smem:$0x3FB1] =	sst s4  }
0xd: {  	[smem:$0x3FB2] =	sst s5  }
0xe: {  	[smem:$0x3FB3] =	sst s6  }
0xf: {  	[smem:$0x3FB4] =	sst s7  }
0x10: {  	[smem:$0x3FB5] =	sst s8  }
0x11: {  	[smem:$0x3FB6] =	sst s9;
	s0 =	simm.s32 @!p0 $0x0  }
0x12: {  	s1 =	sld [smem:$0x3F9C];
	s0 =	simm.s32 @p0 $0x1  }
0x13: {  	[smem:$0x3FB7] =	sst s0;
	s0 =	simm.s32 @!p1 $0x0  }
0x14: {  	s2 =	sld [smem:$0x3F9B];
	s0 =	simm.s32 @p1 $0x1  }
0x15: {  	[smem:$0x3FB8] =	sst s0;
	s0 =	simm.s32 @!p2 $0x0  }
0x16: {  	s3 =	sld [smem:$0x3FDB];
	s0 =	simm.s32 @p2 $0x1  }
0x17: {  	s4 =	simm.s32 $0x1BF5;
	[smem:$0x3FBA] =	sst s0  }
0x18: {  	s0 =	sld [smem:$0x3F9D];
	_ =	swait.ge [sflag:s4], $0x0  }
0x19: {  	s7 =	sld [smem:$0x3F9E]  }
0x1a: {  	s8 =	sadd.s32 $0xFFFFE003, lr  }
0x1b: {  	s9 =	sadd.s32 $0xFFFFFEF7, lr;
	s5 =	simm.s32 $0xFFFFFFFF;
	p2 =	slt.u32 s8, $0xFFFFF086  }
0x1c: {  	p1 =	slt.u32 s9, $0xF7A;
	s5 =	simm.s32 @!p2 $0x0  }
0x1d: {  	s5 =	simm.s32 @p1 $0x1;
	p0 =	seq.s32 s7, s2  }
0x1e: {  	s7 =	smul.u32 @!p0 $0xF7A, s2;
	p2 =	seq.s32 @!p0 s5, $0x0  }
0x1f: {  	s9 =	smul.u32 $0xF7A, s1;
	s8 =	simm.s32 @!p0 $0x1BF5;
	p2 =	por !p2, p0  }
0x20: {  	[sflag:s8] =	ssyncset.s32 @!p0 $0xFFFFF086;
	s6 =	sadd.s32 @!p0 s3, s7;
	s7 =	simm.s32 @!p0 $0x108  }
0x21: {  	s3 =	sadd.s32 s3, s9;
	s6 =	sadd.s32 @!p0 $0x88, s6;
	s7 =	simm.s32 @p2 $0x1082  }
0x22: {  	[simem:s7], [sflag:s8] =	dma.local @!p0 [hbm:s6], $0xF7A  }
0x23: {  	s9 =	sor.u32 $0xD0000000, s2;
	s6 =	simm.s32 $0x108;
	_ =	swait.ge @!p0 [sflag:s8], $0x0  }
0x24: {  	s3 =	sadd.s32 $0x88, s3;
	s6 =	simm.s32 @!p1 $0x1082;
	[sflag:s4] =	ssyncset.s32 $0xFFFFF086  }
0x25: {  	[simem:s6], [sflag:s4] =	dma.local [hbm:s3], $0xF7A  }
0x26: {  	[smem:$0x3F9E] =	sst s1;
	(tag) =	ssettag s2;
	_ =	strace s9  }
0x27: {  	s1 =	sld [smem:$0x3FAE]  }
0x28: {  	s2 =	sld [smem:$0x3FAF]  }
0x29: {  	s4 =	sld [smem:$0x3FB1]  }
0x2a: {  	p0 =	seq.s32 s5, $0x0;
	s5 =	sld [smem:$0x3FB2]  }
0x2b: {  	s6 =	sld [smem:$0x3FB3]  }
0x2c: {  	s7 =	sld [smem:$0x3FB4]  }
0x2d: {  	s3 =	simm.s32 $0x108;
	s8 =	sld [smem:$0x3FB5]  }
0x2e: {  	s3 =	simm.s32 @!p0 $0x1082;
	s9 =	sld [smem:$0x3FB6]  }
0x2f: {  	lr =	sadd.s32 s0, s3;
	s0 =	sld [smem:$0x3FAD]  }
0x30: {  	s3 =	sld [smem:$0x3FB0]  }
0x31: {  	[smem:$0x3FB9] =	sst s10  }
0x32: {  	s10 =	sld [smem:$0x3FB7];
	_ =	sdelay $0x3  }
0x33: {  	p0 =	seq.s32 s10, $0x1;
	s10 =	sld [smem:$0x3FB9];
	_ =	sdelay $0x3  }
0x34: {  	[smem:$0x3FB9] =	sst s10  }
0x35: {  	s10 =	sld [smem:$0x3FB8];
	_ =	sdelay $0x3  }
0x36: {  	p1 =	seq.s32 s10, $0x1;
	s10 =	sld [smem:$0x3FB9];
	_ =	sdelay $0x3  }
0x37: {  	[smem:$0x3FB9] =	sst s10  }
0x38: {  	s10 =	sld [smem:$0x3FBA]  }
0x39: {  	_ = 	snop;
	(pc) =	sbr.ind lr, $3  }
0x3a: {  	_ = 	snop  }
0x3b: {  	_ = 	snop  }
0x3c: {  	p2 =	seq.s32 s10, $0x1;
	s10 =	sld [smem:$0x3FB9]  }
0x3d: {  	_ =	shalt  }
0x3e: {  	_ =	shalt  }
0x3f: {  	_ =	shalt  }
0x40: {  	_ =	shalt  }
0x41: {  	_ =	shalt  }
0x42: {  	_ =	shalt  }
0x43: {  	_ =	shalt  }
0x44: {  	_ =	shalt  }
0x45: {  	_ =	shalt  }
0x46: {  	_ =	shalt  }
0x47: {  	_ =	shalt  }
0x48: {  	_ =	shalt  }
0x49: {  	_ =	shalt  }
0x4a: {  	_ =	shalt  }
0x4b: {  	_ =	shalt  }
0x4c: {  	_ =	shalt  }
0x4d: {  	_ =	shalt  }
0x4e: {  	_ =	shalt  }
0x4f: {  	_ =	shalt  }
0x50: {  	_ =	shalt  }
0x51: {  	_ =	shalt  }
0x52: {  	_ =	shalt  }
0x53: {  	_ =	shalt  }
0x54: {  	_ =	shalt  }
0x55: {  	_ =	shalt  }
0x56: {  	_ =	shalt  }
0x57: {  	_ =	shalt  }
0x58: {  	_ =	shalt  }
0x59: {  	_ =	shalt  }
0x5a: {  	_ =	shalt  }
0x5b: {  	_ =	shalt  }
0x5c: {  	_ =	shalt  }
0x5d: {  	_ =	shalt  }
0x5e: {  	_ =	shalt  }
0x5f: {  	_ =	shalt  }
0x60: {  	_ =	shalt  }
0x61: {  	_ =	shalt  }
0x62: {  	_ =	shalt  }
0x63: {  	_ =	shalt  }
0x64: {  	_ =	shalt  }
0x65: {  	_ =	shalt  }
0x66: {  	_ =	shalt  }
0x67: {  	_ =	shalt  }
0x68: {  	_ =	shalt  }
0x69: {  	_ =	shalt  }
0x6a: {  	_ =	shalt  }
0x6b: {  	_ =	shalt  }
0x6c: {  	_ =	shalt  }
0x6d: {  	_ =	shalt  }
0x6e: {  	_ =	shalt  }
0x6f: {  	_ =	shalt  }
0x70: {  	_ =	shalt  }
0x71: {  	_ =	shalt  }
0x72: {  	_ =	shalt  }
0x73: {  	_ =	shalt  }
0x74: {  	_ =	shalt  }
0x75: {  	_ =	shalt  }
0x76: {  	_ =	shalt  }
0x77: {  	_ =	shalt  }
0x78: {  	_ =	shalt  }
0x79: {  	_ =	shalt  }
0x7a: {  	_ =	shalt  }
0x7b: {  	_ =	shalt  }
0x7c: {  	_ =	shalt  }
0x7d: {  	_ =	shalt  }
0x7e: {  	_ =	shalt  }
0x7f: {  	_ =	shalt  }
0x80: {  	_ =	shalt  }
0x81: {  	_ =	shalt  }
0x82: {  	_ =	shalt  }
0x83: {  	_ =	shalt  }
0x84: {  	_ =	shalt  }
0x85: {  	_ =	shalt  }
0x86: {  	_ =	shalt  }
0x87: {  	_ =	shalt  }
.Lfunc_end0:
.L_simem_size_0:
called_computation_lowered:
.L_overlay_start_0:
0x88: {  	s2 =	sld [smem:$0x3FD9]  }
0x89: {  	s3 =	sld [smem:$0x3FFE];
	_ =	sdelay $0x1  }
0x8a: {  	s1 =	srdreg.scid  }
0x8b: {  	s0 =	sand.u32 $0x1, s1  }
0x8c: {  	s14 =	sshll.u32 s0, $0xA;
	s2 =	sadd.s32 s3, s2  }
0x8d: {  	s2 =	sadd.s32 s2, s14  }
0x8e: {  	[smem:$0x3FC5] =	sst s2  }
0x8f: {  	_ = 	snop  }
0x90: {  	s2 =	sld [smem:$0x3FD0];
	_ =	sdelay $0x2  }
0x91: {  	s4 =	simm.s32 $0xA;
	s5 =	simm.s32 $0x10;
	s15 =	sld [smem:$0x3FC9]  }
0x92: {  	[smem:s5], [sflag:s4] =	dma.local [hbm:s2], $0x1  }
0x93: {  	_ =	swait.eq [sflag:s4], $0x1  }
0x94: {  	[sflag:s4] =	ssyncset.done $0x0  }
0x95: {  	[sflag:s4] =	ssyncadd.s32 $0xFFFFFFFF  }
0x96: {  	s16 =	sld [smem:$0x10];
	(tm) =	ssettm $0x1  }
0x97: {  	s17 =	sld [smem:$0x3FFB];
	_ =	sdelay $0x3  }
0x98: {  	_ =	strace s17  }
0x99: {  	s4 =	sld [smem:$0x3FFC];
	_ =	sdelay $0x3  }
0x9a: {  	_ =	strace s4  }
0x9b: {  	s4 =	sld [smem:$0x3FFD];
	_ =	sdelay $0x3  }
0x9c: {  	_ =	strace s4  }
0x9d: {  	_ =	strace $0x8FFFFFFF  }
0x9e: {  	s18 =	sld [smem:$0x3FDB];
	_ =	sdelay $0x1  }
0x9f: {  	s19 =	simm.s32 $_scs_section_size  }
0xa0: {  	s6 =	simm.s32 $_size__tile_overlayer_lowered;
	s7 =	simm.s32 $_tile_overlayer_lowered  }
0xa1: {  	s22 =	simm.s32 $0x1BFF;
	s21 =	sshll.u32 s7, $0x1;
	s4 =	sadd.s32 s19, s18  }
0xa2: {  	s8 =	simm.s32 $0x0;
	s20 =	sshll.u32 s6, $0x1;
	s6 =	sadd.s32 s21, s4  }
0xa3: {  	[timem:s8], [sflag:s22] =	dma.local [hbm:s6], s20  }
0xa4: {  	_ =	swait.ge [sflag:s22], s20  }
0xa5: {  	s5 =	ssub.s32 $0x0, s20;
	[sflag:s22] =	ssyncset.done $0x0  }
0xa6: {  	[sflag:s22] =	ssyncadd.s32 s5;
	_ =	sdelay $0x1  }
0xa7: {  	s23 =	simm.s32 $0x1B8B  }
0xa8: {  	_ =	swait.ge [sflag:s23], $0x1  }
0xa9: {  	[sflag:s23] =	ssyncset.done $0x0  }
0xaa: {  	s25 =	simm.s32 $0x1B8E;
	s24 =	sld [smem:$0x3FFE];
	[sflag:s23] =	ssyncadd.s32 $0xFFFFFFFF  }
0xab: {  	s26 =	simm.s32 $execute0_lowered;
	[smem:$0x3FD2] =	sst s25  }
0xac: {  	s6 =	sshll.u32 s26, $0x1;
	_ =	strace $0x80000046;
	[dreg:$0x1] =	wrdreg $0xFFFFFFFF  }
0xad: {  	s28 =	simm.s32 $_size_execute0_lowered;
	s4 =	sadd.s32 s4, s6;
	[dreg:$0x0] =	wrdreg $0x0  }
0xae: {  	s6 =	sshll.u32 s28, $0x1;
	[dreg:$0x2] =	wrdreg s4  }
0xaf: {  	[dreg:$0x3] =	wrdreg s6  }
0xb0: {  	[dreg:$0x4] =	wrdreg $0xC0  }
0xb1: {  	_ =	task [dreg:s8], $0x5FFFF  }
0xb2: {  	[dreg:$0x1] =	wrdreg $0xFFFFFFFF  }
0xb3: {  	[dreg:$0x0] =	wrdreg $0x60  }
0xb4: {  	[dreg:$0x2] =	wrdreg s15  }
0xb5: {  	[dreg:$0x3] =	wrdreg s24  }
0xb6: {  	[dreg:$0x4] =	wrdreg s16  }
0xb7: {  	[dreg:$0x5] =	wrdreg $0x9  }
0xb8: {  	_ =	task.clear_ibuf [dreg:s8], $0x6FFFF;
	_ =	strace $0x90000046  }
0xb9: {  	s29 =	simm.s32 $0x9;
	_ =	strace $0x80000048  }
0xba: {  	_ =	swait.ge [sflag:s29], $0x1  }
0xbb: {  	[sflag:s29] =	ssyncadd.s32 $0xFFFFFFFF  }
0xbc: {  	_ =	strace $0x90000048  }
0xbd: {  	_ =	sfence  }
0xbe: {  	s30 =	sld [smem:$0x0];
	_ =	sdelay $0x2  }
0xbf: {  	s31 =	sshll.u32 s1, $0xD;
	s1 =	sshrl.u32 s1, $0x2  }
0xc0: {  	s3 =	sand.u32 $0x4000, s31;
	s1 =	sadd.s32 s1, s30  }
0xc1: {  	s0 =	sor.u32 s3, s0;
	s1 =	sshll.u32 s1, $0x11  }
0xc2: {  	s0 =	sor.u32 s1, s0  }
0xc3: {  	s0 =	sadd.s32 $0x8F2B, s0  }
0xc4: {  	[sflag:s0] =	ssyncadd.remote.s32 $0x1  }
0xc5: {  	_ =	sfence.sel $0xFFFF  }
0xc6: {  	[dreg:$0x0] =	wrdreg $0xFFFFFFFF;
	(pc) =	sbr.abs _section_cstart, $3  }
0xc7: {  	[dreg:$0x1] =	wrdreg $0xFFFFFFFF  }
0xc8: {  	_ =	task.clear_ibuf [dreg:s8], $0x2FFFF;
	_ =	strace $0x9FFFFFFF  }
0xc9: {  	(tm) =	ssettm $0x7FFFFFFF  }
tec
execute0_lowered:
.L_overlay_start_1:
0x0: {  	(tag) =	ssettag $0x1  }
0x1: {  	s1 =	rddreg [dreg:$0x0]  }
0x2: {  	s4 =	rddreg [dreg:$0x1]  }
0x3: {  	s5 =	rddreg [dreg:$0x2]  }
0x4: {  	s0 =	rddreg [dreg:$0x3];
	s2 =	stileid.u32  }
0x5: {  	s6 =	srdreg.scid;
	s3 =	simm.s32 $0x0;
	s7 =	smul.u32 $0x50, s2  }
0x6: {  	s6 =	sand.u32 $0x1, s6;
	[smem:$0x7FF] =	sst s3;
	s10 =	smul.u32 $0x2800, s2  }
0x7: {  	s29 =	sshll.u32 s2, $0x1;
	s8 =	ssub.s32 $0x2, s6;
	s28 =	smul.u32 $0x28, s6  }
0x8: {  	_ =	strace $0x80000047;
	s30 =	smul.u32 $0x1400, s6;
	s31 =	sor.u32 s6, s29  }
0x9: {  	s9 =	sshrl.u32 s8, $0x1;
	s7 =	sadd.s32 s7, s4;
	s5 =	sadd.s32 s10, s5  }
0xa: {  	s10 =	simm.s32 $0x6;
	s26 =	ssub.s32 s8, s9;
	s7 =	sadd.s32 s28, s7  }
0xb: {  	s5 =	sadd.s32 s30, s5;
	s8 =	simm.s32 $0x4;
	s9 =	simm.s32 $0x5  }
0xc: {  	s4 =	smax.u32 s26, $0x1;
	s6 =	sadd.s32 $0x1000, s7;
	s7 =	sor.u32 $0x40, s31  }
.LBB2_1:
0xd: {  	s11 =	sadd.s32 $0xFFFFFFC0, s7  }
0xe: {  	p0 =	sgt.u32 s11, $0x4E1  }
0xf: {  	p1 =	por @!p0 $0x1, $0x1  }
0x10: {  	p1 =	por p1, p0  }
0x11: {  	s11 =	simm.s32 @!p1 $0x4  }
0x12: {  	s13 =	sadd.s32 $0xFFFFFFE0, s7;
	_ =	swait.ge @!p1 [sflag:s11], $0xA000  }
0x13: {  	p2 =	sgt.u32 s13, $0x4E1;
	s12 =	simm.s32 @!p0 $0x7;
	[sflag:s11] =	ssyncset.done @!p1 $0x0  }
0x14: {  	s14 =	sadd.s32 @!p0 $0xFFFFF600, s6;
	s16 =	simm.s32 @!p0 $0x0;
	[sflag:s11] =	ssyncadd.s32 @!p1 $0xFFFF6000  }
0x15: {  	[tilespmem:s16], [sflag:$0x7] =	stream.linear.gather @!p0 [hbm4b:s14+s16], $0x140, $0x38;
	[tilespmem:$0x1E480] =	vst v63  }
0x16: {  	p1 =	por @!p2 $0x1, $0x1;
	_ =	swait.ge @!p0 [sflag:s12], $0x140  }
0x17: {  	s13 =	simm.s32 @!p0 $0x140;
	p1 =	por p1, p2;
	[sflag:s12] =	ssyncset.done @!p0 $0x0  }
0x18: {  	s11 =	simm.s32 @!p0 $0x480;
	[sflag:s12] =	ssyncadd.s32 @!p0 $0xFFFFFEC0;
	s12 =	simm.s32 @!p1 $0x5  }
0x19: {  	[tilespmem:s11], [sflag:$0x1] =	stream.indirect.gather @!p0 [hbm4b:s1+s13], $0x80, s16, s13, $0xb8;
	[tilespmem:$0x1E480] =	vst v63  }
0x1a: {  	_ =	swait.ge @!p1 [sflag:s12], $0xA000  }
0x1b: {  	s17 =	simm.s32 @!p2 $0x0;
	s14 =	simm.s32 @!p2 $0x7;
	[sflag:s12] =	ssyncset.done @!p1 $0x0  }
0x1c: {  	s13 =	simm.s32 @!p2 $0x180;
	[sflag:s12] =	ssyncadd.s32 @!p1 $0xFFFF6000;
	s12 =	sadd.s32 @!p2 $0xFFFFFB00, s6  }
0x1d: {  	[tilespmem:s13], [sflag:$0x7] =	stream.linear.gather @!p2 [hbm4b:s12+s17], $0x140, $0x38;
	[tilespmem:$0x1E480] =	vst v63  }
0x1e: {  	p1 =	sgt.u32 s7, $0x4E1;
	_ =	swait.ge @!p2 [sflag:s14], $0x140  }
0x1f: {  	s12 =	simm.s32 @!p2 $0xA480;
	p3 =	por @!p1 $0x1, $0x1;
	[sflag:s14] =	ssyncset.done @!p2 $0x0  }
0x20: {  	p3 =	por p3, p1;
	[sflag:s14] =	ssyncadd.s32 @!p2 $0xFFFFFEC0;
	s14 =	simm.s32 @!p2 $0x140  }
0x21: {  	[tilespmem:s12], [sflag:$0x2] =	stream.indirect.gather @!p2 [hbm4b:s1+s14], $0x80, s13, s14, $0xb8;
	[tilespmem:$0x1E480] =	vst v63  }
0x22: {  	s13 =	simm.s32 @!p3 $0x6  }
0x23: {  	_ =	swait.ge @!p3 [sflag:s13], $0xA000  }
0x24: {  	s15 =	simm.s32 @!p1 $0x0;
	[sflag:s13] =	ssyncset.done @!p3 $0x0  }
0x25: {  	s14 =	simm.s32 @!p1 $0x300;
	[sflag:s13] =	ssyncadd.s32 @!p3 $0xFFFF6000;
	s13 =	simm.s32 @!p1 $0x7  }
0x26: {  	[tilespmem:s14], [sflag:$0x7] =	stream.linear.gather @!p1 [hbm4b:s6+s15], $0x140, $0x38;
	[tilespmem:$0x1E480] =	vst v63  }
0x27: {  	_ =	swait.ge @!p1 [sflag:s13], $0x140  }
0x28: {  	s19 =	simm.s32 @!p0 $0x1;
	[sflag:s13] =	ssyncset.done @!p1 $0x0  }
0x29: {  	s20 =	simm.s32 @!p1 $0x140;
	s18 =	simm.s32 @!p1 $0x14480;
	[sflag:s13] =	ssyncadd.s32 @!p1 $0xFFFFFEC0  }
0x2a: {  	[tilespmem:s18], [sflag:$0x3] =	stream.indirect.gather @!p1 [hbm4b:s1+s20], $0x80, s14, s20, $0xb8;
	[tilespmem:$0x1E480] =	vst v63  }
0x2b: {  	_ =	swait.ge @!p0 [sflag:s19], $0xA000  }
0x2c: {  	[sflag:s19] =	ssyncset.done @!p0 $0x0  }
0x2d: {  	s13 =	sadd.s32 @!p0 $0x0, s5;
	s14 =	simm.s32 @!p2 $0x2;
	[sflag:s19] =	ssyncadd.s32 @!p0 $0xFFFF6000  }
0x2e: {  	[hbm4b:s13+s16] =	stream.linear.scatter @!p0 [tilespmem:s11], [sflag:$0x4], $0xA000, $0x38;
	[tilespmem:$0x1E480] =	vst v63  }
0x2f: {  	s19 =	sadd.s32 @!p1 $0x0, s5;
	s11 =	simm.s32 $0x78000;
	s13 =	sadd.s32 @!p2 $0x0, s5  }
0x30: {  	_ =	swait.ge @!p2 [sflag:s14], $0xA000;
	s16 =	sadd.s32 @!p2 $0x28000, s13;
	s13 =	sadd.s32 $0x60, s7  }
0x31: {  	s21 =	sadd.s32 @!p1 $0x50000, s19;
	[sflag:s14] =	ssyncset.done @!p2 $0x0;
	s31 =	sadd.s32 $0xFFFFFFC0, s13  }
0x32: {  	[sflag:s14] =	ssyncadd.s32 @!p2 $0xFFFF6000;
	s14 =	simm.s32 $0xF0000;
	p0 =	sgt.u32 s31, $0x4E1  }
0x33: {  	[hbm4b:s16+s17] =	stream.linear.scatter @!p2 [tilespmem:s12], [sflag:$0x5], $0xA000, $0x38;
	[tilespmem:$0x1E480] =	vst v63  }
0x34: {  	s12 =	sadd.s32 $0xF00, s6;
	p4 =	por @!p0 $0x0, $0x0;
	s17 =	simm.s32 @!p1 $0x3  }
.LBB2_2:
0x35: {  	p3 =	por p4, p0  }
0x36: {  	_ =	swait.ge @!p1 [sflag:s17], $0xA000;
	s16 =	smov.u32 s14;
	s14 =	sadd.s32 $0x78000, s14  }
0x37: {  	p2 =	sne.s32 s14, $0x690000;
	s19 =	simm.s32 @!p3 $0x4;
	[sflag:s17] =	ssyncset.done @!p1 $0x0  }
0x38: {  	[sflag:s17] =	ssyncadd.s32 @!p1 $0xFFFF6000  }
0x39: {  	[hbm4b:s21+s15] =	stream.linear.scatter @!p1 [tilespmem:s18], [sflag:$0x6], $0xA000, $0x38;
	[tilespmem:$0x1E480] =	vst v63  }
0x3a: {  	s15 =	simm.s32 @!p0 $0x7;
	s18 =	sadd.s32 $0xFFFFFFE0, s13;
	_ =	swait.ge @!p3 [sflag:s19], $0xA000  }
0x3b: {  	s20 =	sadd.s32 @!p0 $0xFFFFF600, s12;
	s17 =	simm.s32 @!p0 $0x0;
	[sflag:s19] =	ssyncset.done @!p3 $0x0  }
0x3c: {  	[sflag:s19] =	ssyncadd.s32 @!p3 $0xFFFF6000;
	p3 =	sgt.u32 s18, $0x4E1  }
0x3d: {  	[tilespmem:s17], [sflag:$0x7] =	stream.linear.gather @!p0 [hbm4b:s20+s17], $0x140, $0x38;
	[tilespmem:$0x1E480] =	vst v63  }
0x3e: {  	s19 =	simm.s32 @!p0 $0x480;
	p1 =	seq.s32 @!p3 s11, $0x0;
	_ =	swait.ge @!p0 [sflag:s15], $0x140  }
0x3f: {  	s18 =	simm.s32 @!p0 $0x140;
	p1 =	por p1, p3;
	[sflag:s15] =	ssyncset.done @!p0 $0x0  }
0x40: {  	s20 =	sadd.s32 @!p3 s11, s5;
	[sflag:s15] =	ssyncadd.s32 @!p0 $0xFFFFFEC0;
	s15 =	simm.s32 @!p1 $0x5  }
0x41: {  	[tilespmem:s19], [sflag:$0x1] =	stream.indirect.gather @!p0 [hbm4b:s1+s18], $0x80, s17, s18, $0xb8;
	[tilespmem:$0x1E480] =	vst v63  }
0x42: {  	s20 =	sadd.s32 @!p3 $0x28000, s20;
	_ =	swait.ge @!p1 [sflag:s15], $0xA000  }
0x43: {  	s21 =	simm.s32 @!p3 $0x7;
	s18 =	simm.s32 @!p3 $0x180;
	[sflag:s15] =	ssyncset.done @!p1 $0x0  }
0x44: {  	s22 =	simm.s32 @!p3 $0x0;
	[sflag:s15] =	ssyncadd.s32 @!p1 $0xFFFF6000;
	s15 =	sadd.s32 @!p3 $0xFFFFFB00, s12  }
0x45: {  	[tilespmem:s18], [sflag:$0x7] =	stream.linear.gather @!p3 [hbm4b:s15+s22], $0x140, $0x38;
	[tilespmem:$0x1E480] =	vst v63  }
0x46: {  	p1 =	sgt.u32 s13, $0x4E1;
	_ =	swait.ge @!p3 [sflag:s21], $0x140  }
0x47: {  	s23 =	simm.s32 @!p3 $0xA480;
	p4 =	seq.s32 @!p1 s11, $0x0;
	[sflag:s21] =	ssyncset.done @!p3 $0x0  }
0x48: {  	s15 =	simm.s32 @!p3 $0x140;
	p4 =	por p4, p1;
	[sflag:s21] =	ssyncadd.s32 @!p3 $0xFFFFFEC0  }
0x49: {  	[tilespmem:s23], [sflag:$0x2] =	stream.indirect.gather @!p3 [hbm4b:s1+s15], $0x80, s18, s15, $0xb8;
	[tilespmem:$0x1E480] =	vst v63  }
0x4a: {  	s18 =	simm.s32 @!p4 $0x6;
	s15 =	sadd.s32 @!p1 s11, s5  }
0x4b: {  	s21 =	sadd.s32 @!p1 $0x50000, s15;
	_ =	swait.ge @!p4 [sflag:s18], $0xA000  }
0x4c: {  	s24 =	simm.s32 @!p1 $0x300;
	s15 =	simm.s32 @!p1 $0x0;
	[sflag:s18] =	ssyncset.done @!p4 $0x0  }
0x4d: {  	s25 =	simm.s32 @!p1 $0x7;
	[sflag:s18] =	ssyncadd.s32 @!p4 $0xFFFF6000  }
0x4e: {  	[tilespmem:s24], [sflag:$0x7] =	stream.linear.gather @!p1 [hbm4b:s12+s15], $0x140, $0x38;
	[tilespmem:$0x1E480] =	vst v63  }
0x4f: {  	s26 =	simm.s32 @!p0 $0x1;
	_ =	swait.ge @!p1 [sflag:s25], $0x140  }
0x50: {  	s28 =	simm.s32 @!p1 $0x140;
	s18 =	simm.s32 @!p1 $0x14480;
	[sflag:s25] =	ssyncset.done @!p1 $0x0  }
0x51: {  	[sflag:s25] =	ssyncadd.s32 @!p1 $0xFFFFFEC0  }
0x52: {  	[tilespmem:s18], [sflag:$0x3] =	stream.indirect.gather @!p1 [hbm4b:s1+s28], $0x80, s24, s28, $0xb8;
	[tilespmem:$0x1E480] =	vst v63  }
0x53: {  	s24 =	sadd.s32 @!p0 s11, s5;
	s11 =	smov.u32 s16;
	_ =	swait.ge @!p0 [sflag:s26], $0xA000  }
0x54: {  	s16 =	simm.s32 @!p3 $0x2;
	[sflag:s26] =	ssyncset.done @!p0 $0x0  }
0x55: {  	s13 =	sadd.s32 $0x60, s13;
	[sflag:s26] =	ssyncadd.s32 @!p0 $0xFFFF6000  }
0x56: {  	[hbm4b:s24+s17] =	stream.linear.scatter @!p0 [tilespmem:s19], [sflag:$0x4], $0xA000, $0x38;
	[tilespmem:$0x1E480] =	vst v63  }
.Ltmp0:
0x57: {  	_ = 	snop;
	(pc) =	sbr.rel @p2 .LBB2_2-.Ltmp0, $4  }
0x58: {  	s17 =	sadd.s32 $0xFFFFFFC0, s13;
	_ =	swait.ge @!p3 [sflag:s16], $0xA000  }
0x59: {  	s12 =	sadd.s32 $0xF00, s12;
	p0 =	sgt.u32 s17, $0x4E1;
	[sflag:s16] =	ssyncset.done @!p3 $0x0  }
0x5a: {  	s17 =	simm.s32 @!p1 $0x3;
	p4 =	seq.s32 @!p0 s11, $0x0;
	[sflag:s16] =	ssyncadd.s32 @!p3 $0xFFFF6000  }
0x5b: {  	[hbm4b:s20+s22] =	stream.linear.scatter @!p3 [tilespmem:s23], [sflag:$0x5], $0xA000, $0x38;
	[tilespmem:$0x1E480] =	vst v63  }
0x5c: {  	_ =	swait.ge @!p1 [sflag:s17], $0xA000  }
0x5d: {  	p2 =	por p4, p0;
	[sflag:s17] =	ssyncset.done @!p1 $0x0  }
0x5e: {  	s14 =	simm.s32 @!p2 $0x4;
	[sflag:s17] =	ssyncadd.s32 @!p1 $0xFFFF6000  }
0x5f: {  	[hbm4b:s21+s15] =	stream.linear.scatter @!p1 [tilespmem:s18], [sflag:$0x6], $0xA000, $0x38;
	[tilespmem:$0x1E480] =	vst v63  }
0x60: {  	s16 =	sadd.s32 $0xFFFFFFE0, s13;
	_ =	swait.ge @!p2 [sflag:s14], $0xA000  }
0x61: {  	s17 =	sadd.s32 @!p0 $0xFFFFF600, s12;
	s15 =	simm.s32 @!p0 $0x7;
	[sflag:s14] =	ssyncset.done @!p2 $0x0  }
0x62: {  	s18 =	simm.s32 @!p0 $0x0;
	p1 =	sgt.u32 s16, $0x4E1;
	[sflag:s14] =	ssyncadd.s32 @!p2 $0xFFFF6000  }
0x63: {  	[tilespmem:s18], [sflag:$0x7] =	stream.linear.gather @!p0 [hbm4b:s17+s18], $0x140, $0x38;
	[tilespmem:$0x1E480] =	vst v63  }
0x64: {  	p2 =	seq.s32 @!p1 s11, $0x0;
	_ =	swait.ge @!p0 [sflag:s15], $0x140  }
0x65: {  	s16 =	simm.s32 @!p0 $0x140;
	p2 =	por p2, p1;
	[sflag:s15] =	ssyncset.done @!p0 $0x0  }
0x66: {  	s14 =	simm.s32 @!p0 $0x480;
	[sflag:s15] =	ssyncadd.s32 @!p0 $0xFFFFFEC0;
	s15 =	simm.s32 @!p2 $0x5  }
0x67: {  	[tilespmem:s14], [sflag:$0x1] =	stream.indirect.gather @!p0 [hbm4b:s1+s16], $0x80, s18, s16, $0xb8;
	[tilespmem:$0x1E480] =	vst v63  }
0x68: {  	_ =	swait.ge @!p2 [sflag:s15], $0xA000  }
0x69: {  	s19 =	simm.s32 @!p1 $0x0;
	s17 =	simm.s32 @!p1 $0x7;
	[sflag:s15] =	ssyncset.done @!p2 $0x0  }
0x6a: {  	s16 =	simm.s32 @!p1 $0x180;
	[sflag:s15] =	ssyncadd.s32 @!p2 $0xFFFF6000;
	s15 =	sadd.s32 @!p1 $0xFFFFFB00, s12  }
0x6b: {  	[tilespmem:s16], [sflag:$0x7] =	stream.linear.gather @!p1 [hbm4b:s15+s19], $0x140, $0x38;
	[tilespmem:$0x1E480] =	vst v63  }
0x6c: {  	p2 =	sgt.u32 s13, $0x4E1;
	_ =	swait.ge @!p1 [sflag:s17], $0x140  }
0x6d: {  	s13 =	simm.s32 @!p1 $0xA480;
	p3 =	seq.s32 @!p2 s11, $0x0;
	[sflag:s17] =	ssyncset.done @!p1 $0x0  }
0x6e: {  	s15 =	simm.s32 @!p1 $0x140;
	p3 =	por p3, p2;
	[sflag:s17] =	ssyncadd.s32 @!p1 $0xFFFFFEC0  }
0x6f: {  	[tilespmem:s13], [sflag:$0x2] =	stream.indirect.gather @!p1 [hbm4b:s1+s15], $0x80, s16, s15, $0xb8;
	[tilespmem:$0x1E480] =	vst v63  }
0x70: {  	s15 =	simm.s32 @!p3 $0x6  }
0x71: {  	_ =	swait.ge @!p3 [sflag:s15], $0xA000  }
0x72: {  	s17 =	simm.s32 @!p2 $0x300;
	[sflag:s15] =	ssyncset.done @!p3 $0x0  }
0x73: {  	s16 =	simm.s32 @!p2 $0x0;
	[sflag:s15] =	ssyncadd.s32 @!p3 $0xFFFF6000;
	s15 =	simm.s32 @!p2 $0x7  }
0x74: {  	[tilespmem:s17], [sflag:$0x7] =	stream.linear.gather @!p2 [hbm4b:s12+s16], $0x140, $0x38;
	[tilespmem:$0x1E480] =	vst v63  }
0x75: {  	_ =	swait.ge @!p2 [sflag:s15], $0x140  }
0x76: {  	s20 =	simm.s32 @!p2 $0x140;
	[sflag:s15] =	ssyncset.done @!p2 $0x0  }
0x77: {  	s21 =	simm.s32 @!p2 $0x14480;
	s12 =	simm.s32 @!p0 $0x1;
	[sflag:s15] =	ssyncadd.s32 @!p2 $0xFFFFFEC0  }
0x78: {  	[tilespmem:s21], [sflag:$0x3] =	stream.indirect.gather @!p2 [hbm4b:s1+s20], $0x80, s17, s20, $0xb8;
	[tilespmem:$0x1E480] =	vst v63  }
0x79: {  	_ =	swait.ge @!p0 [sflag:s12], $0xA000  }
0x7a: {  	[sflag:s12] =	ssyncset.done @!p0 $0x0  }
0x7b: {  	s15 =	sadd.s32 @!p0 s11, s5;
	s17 =	simm.s32 @!p1 $0x2;
	[sflag:s12] =	ssyncadd.s32 @!p0 $0xFFFF6000  }
0x7c: {  	[hbm4b:s15+s18] =	stream.linear.scatter @!p0 [tilespmem:s14], [sflag:$0x4], $0xA000, $0x38;
	[tilespmem:$0x1E480] =	vst v63  }
0x7d: {  	_ =	swait.ge @!p1 [sflag:s17], $0xA000  }
0x7e: {  	s12 =	sadd.s32 @!p1 s11, s5;
	[sflag:s17] =	ssyncset.done @!p1 $0x0  }
0x7f: {  	s12 =	sadd.s32 @!p1 $0x28000, s12;
	s14 =	simm.s32 @!p2 $0x3;
	[sflag:s17] =	ssyncadd.s32 @!p1 $0xFFFF6000  }
0x80: {  	[hbm4b:s12+s19] =	stream.linear.scatter @!p1 [tilespmem:s13], [sflag:$0x5], $0xA000, $0x38;
	[tilespmem:$0x1E480] =	vst v63  }
0x81: {  	_ =	swait.ge @!p2 [sflag:s14], $0xA000  }
0x82: {  	s11 =	sadd.s32 @!p2 s11, s5;
	[sflag:s14] =	ssyncset.done @!p2 $0x0  }
0x83: {  	s11 =	sadd.s32 @!p2 $0x50000, s11;
	[sflag:s14] =	ssyncadd.s32 @!p2 $0xFFFF6000  }
0x84: {  	[hbm4b:s11+s16] =	stream.linear.scatter @!p2 [tilespmem:s21], [sflag:$0x6], $0xA000, $0x38;
	[tilespmem:$0x1E480] =	vst v63  }
0x85: {  	_ =	swait.ge [sflag:s8], $0xA000  }
0x86: {  	[sflag:s8] =	ssyncset.done $0x0  }
0x87: {  	s3 =	sadd.s32 $0x1, s3;
	[sflag:s8] =	ssyncadd.s32 $0xFFFF6000  }
0x88: {  	p0 =	sne.s32 s3, s4;
	_ =	swait.ge [sflag:s9], $0xA000  }
.Ltmp1:
0x89: {  	[sflag:s9] =	ssyncset.done $0x0;
	(pc) =	sbr.rel @p0 .LBB2_1-.Ltmp1, $4  }
0x8a: {  	[sflag:s9] =	ssyncadd.s32 $0xFFFF6000  }
0x8b: {  	_ =	swait.ge [sflag:s10], $0xA000  }
0x8c: {  	[sflag:s10] =	ssyncset.done $0x0  }
0x8d: {  	[sflag:s10] =	ssyncadd.s32 $0xFFFF6000  }
0x8e: {  	_ =	sfence.sel $0x180000  }
0x8f: {  	[bflag:$0x0] =	sbarrier.arrive $0xFFFF  }
0x90: {  	p0 =	sne.s32 s2, $0x0;
	_ =	strace $0x90000047  }
0x91: {  	s0 =	sadd.s32 @!p0 $0x100000, s0;
	[bflag:$0x2] =	sbarrier.arrive $0xFFFF  }
0x92: {  	[sflag:s0] =	ssyncadd.tile.s32 @!p0 $0x1;
	_ =	shalt  }
.Lfunc_end2:
_tile_overlayer_lowered:
.L_overlay_start_2:
0x93: {  	(tag) =	ssettag $0x2  }
0x94: {  	s0 =	rddreg [dreg:$0x0];
	s2 =	stileid.u32  }
0x95: {  	s1 =	rddreg [dreg:$0x1];
	p0 =	sne.s32 s2, $0x0  }
0x96: {  	s3 =	rddreg [dreg:$0x2];
	[bflag:$0x3] =	sbarrier.arrive $0xFFFF;
	s2 =	simm.s32 @!p0 $0x1C07  }
0x97: {  	[timem:s3], [sflag:s2] =	dma.local @!p0 [hbm:s0], s1  }
0x98: {  	s0 =	simm.s32 @!p0 $0x7  }
0x99: {  	_ =	swait.ge @!p0 [sflag:s0], s1  }
0x9a: {  	s1 =	ssub.s32 @!p0 $0x0, s1;
	[sflag:s0] =	ssyncset.done @!p0 $0x0  }
0x9b: {  	[sflag:s0] =	ssyncadd.s32 @!p0 s1  }
0x9c: {  	[bflag:$0x3] =	sbarrier.arrive $0xFFFF  }
0x9d: {  	_ =	shalt  }

</sc_bundles>
